<compile_context>
chip_gen: v7x
topology: tpu7x:2x2x1
jax: 0.10.2.dev20260603
libtpu: 0.0.44.dev20260713+nightly
codegen_flags: <defaults>
</compile_context>

<pallas_src>
import functools
import math

import jax
import jax.numpy as jnp
from jax import lax
from jax.experimental import pallas as pl
from jax.experimental.pallas import tpu as pltpu
from jax.experimental.pallas import tpu_sc as plsc

INPUT_DIM = 2048
NUM_EXPERTS = 16
TOP_K = 2
AUX_COEFF = 0.01

N_TOKENS = 4 * 4096

SC_CORES = 2
SC_SUBCORES = 16
NUM_WORKERS = SC_CORES * SC_SUBCORES
CHUNK = N_TOKENS // NUM_WORKERS
GROUPS = CHUNK // 16

TOK_BLOCK = 512
NUM_BLOCKS = N_TOKENS // TOK_BLOCK
NBUF = 4

_AUX_CONST = AUX_COEFF * (-math.log(NUM_EXPERTS) / NUM_EXPERTS)
_C_LSE = AUX_COEFF / (NUM_EXPERTS * N_TOKENS)
_C_LOGIT = AUX_COEFF / (NUM_EXPERTS * NUM_EXPERTS * N_TOKENS)


def _tc_body(x_hbm, w_ref, b_ref, logits_ref, aux_ref, x_buf, sems):
    def dma(blk, slot):
        return pltpu.make_async_copy(
            x_hbm.at[pl.ds(blk * TOK_BLOCK, TOK_BLOCK), :],
            x_buf.at[slot],
            sems.at[slot],
        )

    for s in range(NBUF):
        dma(s, s).start()

    def step(i, acc):
        slot = lax.rem(i, NBUF)
        dma(i, slot).wait()
        lg = lax.dot_general(w_ref[...], x_buf[slot],
                             (((1,), (1,)), ((), ())),
                             preferred_element_type=jnp.float32)
        lg = lg + b_ref[...]
        logits_ref[:, pl.ds(i * TOK_BLOCK, TOK_BLOCK)] = lg

        @pl.when(i + NBUF < NUM_BLOCKS)
        def _():
            dma(i + NBUF, slot).start()

        m = jnp.max(lg, axis=0, keepdims=True)
        se = jnp.sum(jnp.exp(lg - m), axis=0, keepdims=True)
        lse_sum = jnp.sum(jnp.log(se) + m)
        return acc + (_C_LSE * lse_sum - _C_LOGIT * jnp.sum(lg))

    acc = lax.fori_loop(0, NUM_BLOCKS, step, jnp.float32(_AUX_CONST))
    aux_ref[0, 0] = acc


def _tc_logits_aux(x2d, w, b_col):
    return pl.pallas_call(
        _tc_body,
        in_specs=[
            pl.BlockSpec(memory_space=pltpu.HBM),
            pl.BlockSpec(memory_space=pltpu.VMEM),
            pl.BlockSpec(memory_space=pltpu.VMEM),
        ],
        out_specs=[
            pl.BlockSpec(memory_space=pltpu.VMEM),
            pl.BlockSpec(memory_space=pltpu.SMEM),
        ],
        out_shape=[
            jax.ShapeDtypeStruct((NUM_EXPERTS, N_TOKENS), jnp.float32),
            jax.ShapeDtypeStruct((1, 1), jnp.float32),
        ],
        scratch_shapes=[
            pltpu.VMEM((NBUF, TOK_BLOCK, INPUT_DIM), jnp.float32),
            pltpu.SemaphoreType.DMA((NBUF,)),
        ],
    )(x2d, w, b_col)


def _sc_routing_body(logits_hbm, scores_hbm, idx_hbm, lg_v, sc_v, ix_v):
    wid = lax.axis_index("s") * SC_CORES + lax.axis_index("c")
    base = wid * CHUNK

    lane = lax.iota(jnp.int32, 16)

    def group(g, carry):
        offs = g * 16
        m1 = lg_v[0, pl.ds(offs, 16)]
        i1 = jnp.zeros((16,), jnp.int32)
        m2 = jnp.full((16,), -3.0e38, jnp.float32)
        i2 = jnp.zeros((16,), jnp.int32)
        for e in range(1, NUM_EXPERTS):
            v = lg_v[e, pl.ds(offs, 16)]
            gt1 = v > m1
            gt2 = v > m2
            m2 = jnp.where(gt1, m1, jnp.where(gt2, v, m2))
            i2 = jnp.where(gt1, i1, jnp.where(gt2, jnp.int32(e), i2))
            m1 = jnp.where(gt1, v, m1)
            i1 = jnp.where(gt1, jnp.int32(e), i1)
        e1 = jnp.exp(m2 - m1)
        denom = 1.0 + e1
        g0 = 1.0 / denom
        g1 = e1 * g0
        pos0 = lane * 2 + g * 32
        plsc.store_scatter(sc_v, [pos0], g0)
        plsc.store_scatter(sc_v, [pos0 + 1], g1)
        plsc.store_scatter(ix_v, [pos0], i1)
        plsc.store_scatter(ix_v, [pos0 + 1], i2)
        return carry

    lax.fori_loop(0, 1, group, 0)
    pltpu.sync_copy(sc_v, scores_hbm.at[pl.ds(base * 2, 2 * CHUNK)])
    pltpu.sync_copy(ix_v, idx_hbm.at[pl.ds(base * 2, 2 * CHUNK)])


@functools.cache
def _sc_routing():
    return pl.kernel(
        _sc_routing_body,
        out_type=[
            jax.ShapeDtypeStruct((2 * N_TOKENS,), jnp.float32),
            jax.ShapeDtypeStruct((2 * N_TOKENS,), jnp.int32),
        ],
        mesh=plsc.VectorSubcoreMesh(core_axis_name="c", subcore_axis_name="s"),
        compiler_params=pltpu.CompilerParams(needs_layout_passes=False),
        scratch_types=[
            pltpu.VMEM((NUM_EXPERTS, CHUNK), jnp.float32),
            pltpu.VMEM((2 * CHUNK,), jnp.float32),
            pltpu.VMEM((2 * CHUNK,), jnp.int32),
        ],
    )


def kernel(x, W, b):
    B, S, D = x.shape
    x2d = x.reshape(B * S, D)
    logits_t = jnp.zeros((NUM_EXPERTS, N_TOKENS), jnp.float32) + b[0]
    aux = jnp.zeros((1, 1), jnp.float32)
    scores_flat, idx_flat = _sc_routing()(logits_t)
    gate_scores = scores_flat.reshape(B, S, TOP_K)
    expert_indices = idx_flat.reshape(B, S, TOP_K)
    return gate_scores, expert_indices, aux[0, 0]

# --- scband reference (transcript-rebuilt; emitter-appended) ---
"""Pipeline reference for scband-top-kgating-16887811408078 (READ-ONLY COPY).

The authoritative reference and input builder live on the scoring server;
editing this copy changes nothing except your own understanding.
"""

import jax, jax.numpy as jnp
import numpy as np

INPUT_DIM = 2048
NUM_EXPERTS = 16
TOP_K = 2
AUX_COEFF = 0.01


def setup_inputs(seed: int = 0) -> dict:
    key = jax.random.key(seed)
    k1, k2 = jax.random.split(key, 2)
    x = jax.random.normal(k1, (4, 4096, INPUT_DIM), dtype=jnp.float32)
    # Linear gate parameters (torch nn.Linear: weight [E, D], bias [E])
    W = jax.random.normal(k2, (NUM_EXPERTS, INPUT_DIM), dtype=jnp.float32) * (1.0 / np.sqrt(INPUT_DIM))
    b = jnp.zeros((NUM_EXPERTS,), dtype=jnp.float32)
    return {"x": x, "W": W, "b": b}


def reference(x, W, b):
    # logits = self.gate(x)
    logits = jnp.einsum('bsd,ed->bse', x, W) + b
    # top_k_logits, expert_indices = torch.topk(logits, k=top_k, dim=-1)
    top_k_logits, expert_indices = jax.lax.top_k(logits, TOP_K)
    # gate_scores = softmax over the selected top-k logits
    gate_scores = jax.nn.softmax(top_k_logits, axis=-1)
    # full softmax probs over all experts, flattened to [B*S, E]
    gate_probs = jax.nn.softmax(logits, axis=-1).reshape(-1, NUM_EXPERTS)
    # expert_mask = one_hot(expert_indices).sum(dim=-2) -> [B, S, E]
    expert_mask = jax.nn.one_hot(expert_indices, NUM_EXPERTS, dtype=jnp.float32).sum(axis=-2)
    # expert_load computed (as in torch code) though unused in the loss
    expert_load = expert_mask.sum(axis=(0, 1)) / expert_mask.size
    ideal_load = jnp.ones_like(expert_load) / NUM_EXPERTS
    # F.kl_div(gate_probs.log(), ideal_load[None], reduction='mean')
    # pointwise: target * (log(target) - input), mean over broadcast result [B*S, E]
    log_probs = jnp.log(gate_probs)
    target = ideal_load[None, :]
    kl = target * (jnp.log(target) - log_probs)
    aux_loss = jnp.mean(kl)
    return gate_scores, expert_indices, AUX_COEFF * aux_loss

if __name__ == "__main__":
    import jax
    _d = setup_inputs()
    print(jax.jit(kernel)(*tuple(_d.values())))

</pallas_src>

<mosaic_0001>
#map = affine_map<(d0, d1) -> (0, 0)>
#map1 = affine_map<(d0, d1) -> (0)>
module attributes {stable_mosaic.version = 14 : i64} {
  func.func @_sc_routing_body(%arg0: i32, %arg1: i32, %arg2: memref<16x16384xf32, #tpu.memory_space<hbm>>, %arg3: memref<32768xf32, #tpu.memory_space<hbm>>, %arg4: memref<32768xi32, #tpu.memory_space<hbm>>, %arg5: memref<16x512xf32, #tpu.memory_space<vmem>>, %arg6: memref<1024xf32, #tpu.memory_space<vmem>>, %arg7: memref<1024xi32, #tpu.memory_space<vmem>>) attributes {dimension_semantics = [#tpu.dimension_semantics<core_parallel>, #tpu.dimension_semantics<subcore_parallel>], iteration_bounds = array<i64: 2, 16>, scalar_prefetch = 0 : i64, scratch_operands = 3 : i64, tpu.core_type = #tpu.core_type<sc_vector_subcore>, window_params = [{transform_indices = #map}, {transform_indices = #map1}, {transform_indices = #map1}]} {
    %mul3A = arith.constant 2 : i32
    %mul3A_0 = arith.muli %arg1, %mul3A : i32
    %add3A = arith.addi %mul3A_0, %arg0 : i32
    %mul3A_1 = arith.constant 512 : i32
    %mul3A_2 = arith.muli %add3A, %mul3A_1 : i32
    %iota3A = tpu.iota {dimensions = array<i32: 0>} : vector<16xi32>
    %scan3A = arith.constant 0 : i32
    %scan3A_3 = arith.constant 0 : i32
    %mul3A_4 = arith.constant 16 : i32
    %mul3A_5 = arith.muli %scan3A_3, %mul3A_4 : i32
    %get3A = arith.constant 0 : i32
    %get3A_6 = arith.index_cast %get3A : i32 to index
    %get3A_7 = arith.index_cast %mul3A_5 : i32 to index
    %get3A_8 = tpu.vector_load %arg5[%get3A_6, %get3A_7] {strides = array<i32>} : memref<16x512xf32, #tpu.memory_space<vmem>>, vector<16xf32>,
    %broadcast_in_dim3A = arith.constant 0 : i32
    %broadcast_in_dim3A_9 = vector.broadcast %broadcast_in_dim3A : i32 to vector<16xi32>
    %broadcast_in_dim3A_10 = arith.constant -3.000000e+38 : f32
    %broadcast_in_dim3A_11 = vector.broadcast %broadcast_in_dim3A_10 : f32 to vector<16xf32>
    %broadcast_in_dim3A_12 = arith.constant 0 : i32
    %broadcast_in_dim3A_13 = vector.broadcast %broadcast_in_dim3A_12 : i32 to vector<16xi32>
    %get3A_14 = arith.constant 1 : i32
    %get3A_15 = arith.index_cast %get3A_14 : i32 to index
    %get3A_16 = arith.index_cast %mul3A_5 : i32 to index
    %get3A_17 = tpu.vector_load %arg5[%get3A_15, %get3A_16] {strides = array<i32>} : memref<16x512xf32, #tpu.memory_space<vmem>>, vector<16xf32>,
    %gt3A = arith.cmpf ogt, %get3A_17, %get3A_8 : vector<16xf32>
    %gt3A_18 = arith.cmpf ogt, %get3A_17, %broadcast_in_dim3A_11 : vector<16xf32>
    %select_n3A = arith.select %gt3A_18, %get3A_17, %broadcast_in_dim3A_11 : vector<16xi1>, vector<16xf32>
    %select_n3A_19 = arith.select %gt3A, %get3A_8, %select_n3A : vector<16xi1>, vector<16xf32>
    %jit3A = arith.constant 1 : i32
    %broadcast_in_dim3A_20 = vector.broadcast %jit3A : i32 to vector<16xi32>
    %select_n3A_21 = arith.select %gt3A_18, %broadcast_in_dim3A_20, %broadcast_in_dim3A_13 : vector<16xi1>, vector<16xi32>
    %select_n3A_22 = arith.select %gt3A, %broadcast_in_dim3A_9, %select_n3A_21 : vector<16xi1>, vector<16xi32>
    %select_n3A_23 = arith.select %gt3A, %get3A_17, %get3A_8 : vector<16xi1>, vector<16xf32>
    %jit3A_24 = arith.constant 1 : i32
    %broadcast_in_dim3A_25 = vector.broadcast %jit3A_24 : i32 to vector<16xi32>
    %select_n3A_26 = arith.select %gt3A, %broadcast_in_dim3A_25, %broadcast_in_dim3A_9 : vector<16xi1>, vector<16xi32>
    %get3A_27 = arith.constant 2 : i32
    %get3A_28 = arith.index_cast %get3A_27 : i32 to index
    %get3A_29 = arith.index_cast %mul3A_5 : i32 to index
    %get3A_30 = tpu.vector_load %arg5[%get3A_28, %get3A_29] {strides = array<i32>} : memref<16x512xf32, #tpu.memory_space<vmem>>, vector<16xf32>,
    %gt3A_31 = arith.cmpf ogt, %get3A_30, %select_n3A_23 : vector<16xf32>
    %gt3A_32 = arith.cmpf ogt, %get3A_30, %select_n3A_19 : vector<16xf32>
    %select_n3A_33 = arith.select %gt3A_32, %get3A_30, %select_n3A_19 : vector<16xi1>, vector<16xf32>
    %select_n3A_34 = arith.select %gt3A_31, %select_n3A_23, %select_n3A_33 : vector<16xi1>, vector<16xf32>
    %jit3A_35 = arith.constant 2 : i32
    %broadcast_in_dim3A_36 = vector.broadcast %jit3A_35 : i32 to vector<16xi32>
    %select_n3A_37 = arith.select %gt3A_32, %broadcast_in_dim3A_36, %select_n3A_22 : vector<16xi1>, vector<16xi32>
    %select_n3A_38 = arith.select %gt3A_31, %select_n3A_26, %select_n3A_37 : vector<16xi1>, vector<16xi32>
    %select_n3A_39 = arith.select %gt3A_31, %get3A_30, %select_n3A_23 : vector<16xi1>, vector<16xf32>
    %jit3A_40 = arith.constant 2 : i32
    %broadcast_in_dim3A_41 = vector.broadcast %jit3A_40 : i32 to vector<16xi32>
    %select_n3A_42 = arith.select %gt3A_31, %broadcast_in_dim3A_41, %select_n3A_26 : vector<16xi1>, vector<16xi32>
    %get3A_43 = arith.constant 3 : i32
    %get3A_44 = arith.index_cast %get3A_43 : i32 to index
    %get3A_45 = arith.index_cast %mul3A_5 : i32 to index
    %get3A_46 = tpu.vector_load %arg5[%get3A_44, %get3A_45] {strides = array<i32>} : memref<16x512xf32, #tpu.memory_space<vmem>>, vector<16xf32>,
    %gt3A_47 = arith.cmpf ogt, %get3A_46, %select_n3A_39 : vector<16xf32>
    %gt3A_48 = arith.cmpf ogt, %get3A_46, %select_n3A_34 : vector<16xf32>
    %select_n3A_49 = arith.select %gt3A_48, %get3A_46, %select_n3A_34 : vector<16xi1>, vector<16xf32>
    %select_n3A_50 = arith.select %gt3A_47, %select_n3A_39, %select_n3A_49 : vector<16xi1>, vector<16xf32>
    %jit3A_51 = arith.constant 3 : i32
    %broadcast_in_dim3A_52 = vector.broadcast %jit3A_51 : i32 to vector<16xi32>
    %select_n3A_53 = arith.select %gt3A_48, %broadcast_in_dim3A_52, %select_n3A_38 : vector<16xi1>, vector<16xi32>
    %select_n3A_54 = arith.select %gt3A_47, %select_n3A_42, %select_n3A_53 : vector<16xi1>, vector<16xi32>
    %select_n3A_55 = arith.select %gt3A_47, %get3A_46, %select_n3A_39 : vector<16xi1>, vector<16xf32>
    %jit3A_56 = arith.constant 3 : i32
    %broadcast_in_dim3A_57 = vector.broadcast %jit3A_56 : i32 to vector<16xi32>
    %select_n3A_58 = arith.select %gt3A_47, %broadcast_in_dim3A_57, %select_n3A_42 : vector<16xi1>, vector<16xi32>
    %get3A_59 = arith.constant 4 : i32
    %get3A_60 = arith.index_cast %get3A_59 : i32 to index
    %get3A_61 = arith.index_cast %mul3A_5 : i32 to index
    %get3A_62 = tpu.vector_load %arg5[%get3A_60, %get3A_61] {strides = array<i32>} : memref<16x512xf32, #tpu.memory_space<vmem>>, vector<16xf32>,
    %gt3A_63 = arith.cmpf ogt, %get3A_62, %select_n3A_55 : vector<16xf32>
    %gt3A_64 = arith.cmpf ogt, %get3A_62, %select_n3A_50 : vector<16xf32>
    %select_n3A_65 = arith.select %gt3A_64, %get3A_62, %select_n3A_50 : vector<16xi1>, vector<16xf32>
    %select_n3A_66 = arith.select %gt3A_63, %select_n3A_55, %select_n3A_65 : vector<16xi1>, vector<16xf32>
    %jit3A_67 = arith.constant 4 : i32
    %broadcast_in_dim3A_68 = vector.broadcast %jit3A_67 : i32 to vector<16xi32>
    %select_n3A_69 = arith.select %gt3A_64, %broadcast_in_dim3A_68, %select_n3A_54 : vector<16xi1>, vector<16xi32>
    %select_n3A_70 = arith.select %gt3A_63, %select_n3A_58, %select_n3A_69 : vector<16xi1>, vector<16xi32>
    %select_n3A_71 = arith.select %gt3A_63, %get3A_62, %select_n3A_55 : vector<16xi1>, vector<16xf32>
    %jit3A_72 = arith.constant 4 : i32
    %broadcast_in_dim3A_73 = vector.broadcast %jit3A_72 : i32 to vector<16xi32>
    %select_n3A_74 = arith.select %gt3A_63, %broadcast_in_dim3A_73, %select_n3A_58 : vector<16xi1>, vector<16xi32>
    %get3A_75 = arith.constant 5 : i32
    %get3A_76 = arith.index_cast %get3A_75 : i32 to index
    %get3A_77 = arith.index_cast %mul3A_5 : i32 to index
    %get3A_78 = tpu.vector_load %arg5[%get3A_76, %get3A_77] {strides = array<i32>} : memref<16x512xf32, #tpu.memory_space<vmem>>, vector<16xf32>,
    %gt3A_79 = arith.cmpf ogt, %get3A_78, %select_n3A_71 : vector<16xf32>
    %gt3A_80 = arith.cmpf ogt, %get3A_78, %select_n3A_66 : vector<16xf32>
    %select_n3A_81 = arith.select %gt3A_80, %get3A_78, %select_n3A_66 : vector<16xi1>, vector<16xf32>
    %select_n3A_82 = arith.select %gt3A_79, %select_n3A_71, %select_n3A_81 : vector<16xi1>, vector<16xf32>
    %jit3A_83 = arith.constant 5 : i32
    %broadcast_in_dim3A_84 = vector.broadcast %jit3A_83 : i32 to vector<16xi32>
    %select_n3A_85 = arith.select %gt3A_80, %broadcast_in_dim3A_84, %select_n3A_70 : vector<16xi1>, vector<16xi32>
    %select_n3A_86 = arith.select %gt3A_79, %select_n3A_74, %select_n3A_85 : vector<16xi1>, vector<16xi32>
    %select_n3A_87 = arith.select %gt3A_79, %get3A_78, %select_n3A_71 : vector<16xi1>, vector<16xf32>
    %jit3A_88 = arith.constant 5 : i32
    %broadcast_in_dim3A_89 = vector.broadcast %jit3A_88 : i32 to vector<16xi32>
    %select_n3A_90 = arith.select %gt3A_79, %broadcast_in_dim3A_89, %select_n3A_74 : vector<16xi1>, vector<16xi32>
    %get3A_91 = arith.constant 6 : i32
    %get3A_92 = arith.index_cast %get3A_91 : i32 to index
    %get3A_93 = arith.index_cast %mul3A_5 : i32 to index
    %get3A_94 = tpu.vector_load %arg5[%get3A_92, %get3A_93] {strides = array<i32>} : memref<16x512xf32, #tpu.memory_space<vmem>>, vector<16xf32>,
    %gt3A_95 = arith.cmpf ogt, %get3A_94, %select_n3A_87 : vector<16xf32>
    %gt3A_96 = arith.cmpf ogt, %get3A_94, %select_n3A_82 : vector<16xf32>
    %select_n3A_97 = arith.select %gt3A_96, %get3A_94, %select_n3A_82 : vector<16xi1>, vector<16xf32>
    %select_n3A_98 = arith.select %gt3A_95, %select_n3A_87, %select_n3A_97 : vector<16xi1>, vector<16xf32>
    %jit3A_99 = arith.constant 6 : i32
    %broadcast_in_dim3A_100 = vector.broadcast %jit3A_99 : i32 to vector<16xi32>
    %select_n3A_101 = arith.select %gt3A_96, %broadcast_in_dim3A_100, %select_n3A_86 : vector<16xi1>, vector<16xi32>
    %select_n3A_102 = arith.select %gt3A_95, %select_n3A_90, %select_n3A_101 : vector<16xi1>, vector<16xi32>
    %select_n3A_103 = arith.select %gt3A_95, %get3A_94, %select_n3A_87 : vector<16xi1>, vector<16xf32>
    %jit3A_104 = arith.constant 6 : i32
    %broadcast_in_dim3A_105 = vector.broadcast %jit3A_104 : i32 to vector<16xi32>
    %select_n3A_106 = arith.select %gt3A_95, %broadcast_in_dim3A_105, %select_n3A_90 : vector<16xi1>, vector<16xi32>
    %get3A_107 = arith.constant 7 : i32
    %get3A_108 = arith.index_cast %get3A_107 : i32 to index
    %get3A_109 = arith.index_cast %mul3A_5 : i32 to index
    %get3A_110 = tpu.vector_load %arg5[%get3A_108, %get3A_109] {strides = array<i32>} : memref<16x512xf32, #tpu.memory_space<vmem>>, vector<16xf32>,
    %gt3A_111 = arith.cmpf ogt, %get3A_110, %select_n3A_103 : vector<16xf32>
    %gt3A_112 = arith.cmpf ogt, %get3A_110, %select_n3A_98 : vector<16xf32>
    %select_n3A_113 = arith.select %gt3A_112, %get3A_110, %select_n3A_98 : vector<16xi1>, vector<16xf32>
    %select_n3A_114 = arith.select %gt3A_111, %select_n3A_103, %select_n3A_113 : vector<16xi1>, vector<16xf32>
    %jit3A_115 = arith.constant 7 : i32
    %broadcast_in_dim3A_116 = vector.broadcast %jit3A_115 : i32 to vector<16xi32>
    %select_n3A_117 = arith.select %gt3A_112, %broadcast_in_dim3A_116, %select_n3A_102 : vector<16xi1>, vector<16xi32>
    %select_n3A_118 = arith.select %gt3A_111, %select_n3A_106, %select_n3A_117 : vector<16xi1>, vector<16xi32>
    %select_n3A_119 = arith.select %gt3A_111, %get3A_110, %select_n3A_103 : vector<16xi1>, vector<16xf32>
    %jit3A_120 = arith.constant 7 : i32
    %broadcast_in_dim3A_121 = vector.broadcast %jit3A_120 : i32 to vector<16xi32>
    %select_n3A_122 = arith.select %gt3A_111, %broadcast_in_dim3A_121, %select_n3A_106 : vector<16xi1>, vector<16xi32>
    %get3A_123 = arith.constant 8 : i32
    %get3A_124 = arith.index_cast %get3A_123 : i32 to index
    %get3A_125 = arith.index_cast %mul3A_5 : i32 to index
    %get3A_126 = tpu.vector_load %arg5[%get3A_124, %get3A_125] {strides = array<i32>} : memref<16x512xf32, #tpu.memory_space<vmem>>, vector<16xf32>,
    %gt3A_127 = arith.cmpf ogt, %get3A_126, %select_n3A_119 : vector<16xf32>
    %gt3A_128 = arith.cmpf ogt, %get3A_126, %select_n3A_114 : vector<16xf32>
    %select_n3A_129 = arith.select %gt3A_128, %get3A_126, %select_n3A_114 : vector<16xi1>, vector<16xf32>
    %select_n3A_130 = arith.select %gt3A_127, %select_n3A_119, %select_n3A_129 : vector<16xi1>, vector<16xf32>
    %jit3A_131 = arith.constant 8 : i32
    %broadcast_in_dim3A_132 = vector.broadcast %jit3A_131 : i32 to vector<16xi32>
    %select_n3A_133 = arith.select %gt3A_128, %broadcast_in_dim3A_132, %select_n3A_118 : vector<16xi1>, vector<16xi32>
    %select_n3A_134 = arith.select %gt3A_127, %select_n3A_122, %select_n3A_133 : vector<16xi1>, vector<16xi32>
    %select_n3A_135 = arith.select %gt3A_127, %get3A_126, %select_n3A_119 : vector<16xi1>, vector<16xf32>
    %jit3A_136 = arith.constant 8 : i32
    %broadcast_in_dim3A_137 = vector.broadcast %jit3A_136 : i32 to vector<16xi32>
    %select_n3A_138 = arith.select %gt3A_127, %broadcast_in_dim3A_137, %select_n3A_122 : vector<16xi1>, vector<16xi32>
    %get3A_139 = arith.constant 9 : i32
    %get3A_140 = arith.index_cast %get3A_139 : i32 to index
    %get3A_141 = arith.index_cast %mul3A_5 : i32 to index
    %get3A_142 = tpu.vector_load %arg5[%get3A_140, %get3A_141] {strides = array<i32>} : memref<16x512xf32, #tpu.memory_space<vmem>>, vector<16xf32>,
    %gt3A_143 = arith.cmpf ogt, %get3A_142, %select_n3A_135 : vector<16xf32>
    %gt3A_144 = arith.cmpf ogt, %get3A_142, %select_n3A_130 : vector<16xf32>
    %select_n3A_145 = arith.select %gt3A_144, %get3A_142, %select_n3A_130 : vector<16xi1>, vector<16xf32>
    %select_n3A_146 = arith.select %gt3A_143, %select_n3A_135, %select_n3A_145 : vector<16xi1>, vector<16xf32>
    %jit3A_147 = arith.constant 9 : i32
    %broadcast_in_dim3A_148 = vector.broadcast %jit3A_147 : i32 to vector<16xi32>
    %select_n3A_149 = arith.select %gt3A_144, %broadcast_in_dim3A_148, %select_n3A_134 : vector<16xi1>, vector<16xi32>
    %select_n3A_150 = arith.select %gt3A_143, %select_n3A_138, %select_n3A_149 : vector<16xi1>, vector<16xi32>
    %select_n3A_151 = arith.select %gt3A_143, %get3A_142, %select_n3A_135 : vector<16xi1>, vector<16xf32>
    %jit3A_152 = arith.constant 9 : i32
    %broadcast_in_dim3A_153 = vector.broadcast %jit3A_152 : i32 to vector<16xi32>
    %select_n3A_154 = arith.select %gt3A_143, %broadcast_in_dim3A_153, %select_n3A_138 : vector<16xi1>, vector<16xi32>
    %get3A_155 = arith.constant 10 : i32
    %get3A_156 = arith.index_cast %get3A_155 : i32 to index
    %get3A_157 = arith.index_cast %mul3A_5 : i32 to index
    %get3A_158 = tpu.vector_load %arg5[%get3A_156, %get3A_157] {strides = array<i32>} : memref<16x512xf32, #tpu.memory_space<vmem>>, vector<16xf32>,
    %gt3A_159 = arith.cmpf ogt, %get3A_158, %select_n3A_151 : vector<16xf32>
    %gt3A_160 = arith.cmpf ogt, %get3A_158, %select_n3A_146 : vector<16xf32>
    %select_n3A_161 = arith.select %gt3A_160, %get3A_158, %select_n3A_146 : vector<16xi1>, vector<16xf32>
    %select_n3A_162 = arith.select %gt3A_159, %select_n3A_151, %select_n3A_161 : vector<16xi1>, vector<16xf32>
    %jit3A_163 = arith.constant 10 : i32
    %broadcast_in_dim3A_164 = vector.broadcast %jit3A_163 : i32 to vector<16xi32>
    %select_n3A_165 = arith.select %gt3A_160, %broadcast_in_dim3A_164, %select_n3A_150 : vector<16xi1>, vector<16xi32>
    %select_n3A_166 = arith.select %gt3A_159, %select_n3A_154, %select_n3A_165 : vector<16xi1>, vector<16xi32>
    %select_n3A_167 = arith.select %gt3A_159, %get3A_158, %select_n3A_151 : vector<16xi1>, vector<16xf32>
    %jit3A_168 = arith.constant 10 : i32
    %broadcast_in_dim3A_169 = vector.broadcast %jit3A_168 : i32 to vector<16xi32>
    %select_n3A_170 = arith.select %gt3A_159, %broadcast_in_dim3A_169, %select_n3A_154 : vector<16xi1>, vector<16xi32>
    %get3A_171 = arith.constant 11 : i32
    %get3A_172 = arith.index_cast %get3A_171 : i32 to index
    %get3A_173 = arith.index_cast %mul3A_5 : i32 to index
    %get3A_174 = tpu.vector_load %arg5[%get3A_172, %get3A_173] {strides = array<i32>} : memref<16x512xf32, #tpu.memory_space<vmem>>, vector<16xf32>,
    %gt3A_175 = arith.cmpf ogt, %get3A_174, %select_n3A_167 : vector<16xf32>
    %gt3A_176 = arith.cmpf ogt, %get3A_174, %select_n3A_162 : vector<16xf32>
    %select_n3A_177 = arith.select %gt3A_176, %get3A_174, %select_n3A_162 : vector<16xi1>, vector<16xf32>
    %select_n3A_178 = arith.select %gt3A_175, %select_n3A_167, %select_n3A_177 : vector<16xi1>, vector<16xf32>
    %jit3A_179 = arith.constant 11 : i32
    %broadcast_in_dim3A_180 = vector.broadcast %jit3A_179 : i32 to vector<16xi32>
    %select_n3A_181 = arith.select %gt3A_176, %broadcast_in_dim3A_180, %select_n3A_166 : vector<16xi1>, vector<16xi32>
    %select_n3A_182 = arith.select %gt3A_175, %select_n3A_170, %select_n3A_181 : vector<16xi1>, vector<16xi32>
    %select_n3A_183 = arith.select %gt3A_175, %get3A_174, %select_n3A_167 : vector<16xi1>, vector<16xf32>
    %jit3A_184 = arith.constant 11 : i32
    %broadcast_in_dim3A_185 = vector.broadcast %jit3A_184 : i32 to vector<16xi32>
    %select_n3A_186 = arith.select %gt3A_175, %broadcast_in_dim3A_185, %select_n3A_170 : vector<16xi1>, vector<16xi32>
    %get3A_187 = arith.constant 12 : i32
    %get3A_188 = arith.index_cast %get3A_187 : i32 to index
    %get3A_189 = arith.index_cast %mul3A_5 : i32 to index
    %get3A_190 = tpu.vector_load %arg5[%get3A_188, %get3A_189] {strides = array<i32>} : memref<16x512xf32, #tpu.memory_space<vmem>>, vector<16xf32>,
    %gt3A_191 = arith.cmpf ogt, %get3A_190, %select_n3A_183 : vector<16xf32>
    %gt3A_192 = arith.cmpf ogt, %get3A_190, %select_n3A_178 : vector<16xf32>
    %select_n3A_193 = arith.select %gt3A_192, %get3A_190, %select_n3A_178 : vector<16xi1>, vector<16xf32>
    %select_n3A_194 = arith.select %gt3A_191, %select_n3A_183, %select_n3A_193 : vector<16xi1>, vector<16xf32>
    %jit3A_195 = arith.constant 12 : i32
    %broadcast_in_dim3A_196 = vector.broadcast %jit3A_195 : i32 to vector<16xi32>
    %select_n3A_197 = arith.select %gt3A_192, %broadcast_in_dim3A_196, %select_n3A_182 : vector<16xi1>, vector<16xi32>
    %select_n3A_198 = arith.select %gt3A_191, %select_n3A_186, %select_n3A_197 : vector<16xi1>, vector<16xi32>
    %select_n3A_199 = arith.select %gt3A_191, %get3A_190, %select_n3A_183 : vector<16xi1>, vector<16xf32>
    %jit3A_200 = arith.constant 12 : i32
    %broadcast_in_dim3A_201 = vector.broadcast %jit3A_200 : i32 to vector<16xi32>
    %select_n3A_202 = arith.select %gt3A_191, %broadcast_in_dim3A_201, %select_n3A_186 : vector<16xi1>, vector<16xi32>
    %get3A_203 = arith.constant 13 : i32
    %get3A_204 = arith.index_cast %get3A_203 : i32 to index
    %get3A_205 = arith.index_cast %mul3A_5 : i32 to index
    %get3A_206 = tpu.vector_load %arg5[%get3A_204, %get3A_205] {strides = array<i32>} : memref<16x512xf32, #tpu.memory_space<vmem>>, vector<16xf32>,
    %gt3A_207 = arith.cmpf ogt, %get3A_206, %select_n3A_199 : vector<16xf32>
    %gt3A_208 = arith.cmpf ogt, %get3A_206, %select_n3A_194 : vector<16xf32>
    %select_n3A_209 = arith.select %gt3A_208, %get3A_206, %select_n3A_194 : vector<16xi1>, vector<16xf32>
    %select_n3A_210 = arith.select %gt3A_207, %select_n3A_199, %select_n3A_209 : vector<16xi1>, vector<16xf32>
    %jit3A_211 = arith.constant 13 : i32
    %broadcast_in_dim3A_212 = vector.broadcast %jit3A_211 : i32 to vector<16xi32>
    %select_n3A_213 = arith.select %gt3A_208, %broadcast_in_dim3A_212, %select_n3A_198 : vector<16xi1>, vector<16xi32>
    %select_n3A_214 = arith.select %gt3A_207, %select_n3A_202, %select_n3A_213 : vector<16xi1>, vector<16xi32>
    %select_n3A_215 = arith.select %gt3A_207, %get3A_206, %select_n3A_199 : vector<16xi1>, vector<16xf32>
    %jit3A_216 = arith.constant 13 : i32
    %broadcast_in_dim3A_217 = vector.broadcast %jit3A_216 : i32 to vector<16xi32>
    %select_n3A_218 = arith.select %gt3A_207, %broadcast_in_dim3A_217, %select_n3A_202 : vector<16xi1>, vector<16xi32>
    %get3A_219 = arith.constant 14 : i32
    %get3A_220 = arith.index_cast %get3A_219 : i32 to index
    %get3A_221 = arith.index_cast %mul3A_5 : i32 to index
    %get3A_222 = tpu.vector_load %arg5[%get3A_220, %get3A_221] {strides = array<i32>} : memref<16x512xf32, #tpu.memory_space<vmem>>, vector<16xf32>,
    %gt3A_223 = arith.cmpf ogt, %get3A_222, %select_n3A_215 : vector<16xf32>
    %gt3A_224 = arith.cmpf ogt, %get3A_222, %select_n3A_210 : vector<16xf32>
    %select_n3A_225 = arith.select %gt3A_224, %get3A_222, %select_n3A_210 : vector<16xi1>, vector<16xf32>
    %select_n3A_226 = arith.select %gt3A_223, %select_n3A_215, %select_n3A_225 : vector<16xi1>, vector<16xf32>
    %jit3A_227 = arith.constant 14 : i32
    %broadcast_in_dim3A_228 = vector.broadcast %jit3A_227 : i32 to vector<16xi32>
    %select_n3A_229 = arith.select %gt3A_224, %broadcast_in_dim3A_228, %select_n3A_214 : vector<16xi1>, vector<16xi32>
    %select_n3A_230 = arith.select %gt3A_223, %select_n3A_218, %select_n3A_229 : vector<16xi1>, vector<16xi32>
    %select_n3A_231 = arith.select %gt3A_223, %get3A_222, %select_n3A_215 : vector<16xi1>, vector<16xf32>
    %jit3A_232 = arith.constant 14 : i32
    %broadcast_in_dim3A_233 = vector.broadcast %jit3A_232 : i32 to vector<16xi32>
    %select_n3A_234 = arith.select %gt3A_223, %broadcast_in_dim3A_233, %select_n3A_218 : vector<16xi1>, vector<16xi32>
    %get3A_235 = arith.constant 15 : i32
    %get3A_236 = arith.index_cast %get3A_235 : i32 to index
    %get3A_237 = arith.index_cast %mul3A_5 : i32 to index
    %get3A_238 = tpu.vector_load %arg5[%get3A_236, %get3A_237] {strides = array<i32>} : memref<16x512xf32, #tpu.memory_space<vmem>>, vector<16xf32>,
    %gt3A_239 = arith.cmpf ogt, %get3A_238, %select_n3A_231 : vector<16xf32>
    %gt3A_240 = arith.cmpf ogt, %get3A_238, %select_n3A_226 : vector<16xf32>
    %select_n3A_241 = arith.select %gt3A_240, %get3A_238, %select_n3A_226 : vector<16xi1>, vector<16xf32>
    %select_n3A_242 = arith.select %gt3A_239, %select_n3A_231, %select_n3A_241 : vector<16xi1>, vector<16xf32>
    %jit3A_243 = arith.constant 15 : i32
    %broadcast_in_dim3A_244 = vector.broadcast %jit3A_243 : i32 to vector<16xi32>
    %select_n3A_245 = arith.select %gt3A_240, %broadcast_in_dim3A_244, %select_n3A_230 : vector<16xi1>, vector<16xi32>
    %select_n3A_246 = arith.select %gt3A_239, %select_n3A_234, %select_n3A_245 : vector<16xi1>, vector<16xi32>
    %select_n3A_247 = arith.select %gt3A_239, %get3A_238, %select_n3A_231 : vector<16xi1>, vector<16xf32>
    %jit3A_248 = arith.constant 15 : i32
    %broadcast_in_dim3A_249 = vector.broadcast %jit3A_248 : i32 to vector<16xi32>
    %select_n3A_250 = arith.select %gt3A_239, %broadcast_in_dim3A_249, %select_n3A_234 : vector<16xi1>, vector<16xi32>
    %sub3A = arith.subf %select_n3A_242, %select_n3A_247 : vector<16xf32>
    %exp3A = math.exp %sub3A : vector<16xf32>
    %add3A_251 = arith.constant 1.000000e+00 : f32
    %add3A_252 = vector.broadcast %add3A_251 : f32 to vector<16xf32>
    %add3A_253 = arith.addf %add3A_252, %exp3A : vector<16xf32>
    %div3A = arith.constant 1.000000e+00 : f32
    %div3A_254 = vector.broadcast %div3A : f32 to vector<16xf32>
    %div3A_255 = arith.divf %div3A_254, %add3A_253 : vector<16xf32>
    %mul3A_256 = arith.mulf %exp3A, %div3A_255 : vector<16xf32>
    %mul3A_257 = arith.constant 2 : i32
    %mul3A_258 = vector.broadcast %mul3A_257 : i32 to vector<16xi32>
    %mul3A_259 = arith.muli %iota3A, %mul3A_258 : vector<16xi32>
    %mul3A_260 = arith.constant 32 : i32
    %mul3A_261 = arith.muli %scan3A_3, %mul3A_260 : i32
    %add3A_262 = vector.broadcast %mul3A_261 : i32 to vector<16xi32>
    %add3A_263 = arith.addi %mul3A_259, %add3A_262 : vector<16xi32>
    tpu.vector_store_idx %arg6[%add3A_263], %div3A_255 : memref<1024xf32, #tpu.memory_space<vmem>>[vector<16xi32>], vector<16xf32>,
    %add3A_264 = arith.constant 1 : i32
    %add3A_265 = vector.broadcast %add3A_264 : i32 to vector<16xi32>
    %add3A_266 = arith.addi %add3A_263, %add3A_265 : vector<16xi32>
    tpu.vector_store_idx %arg6[%add3A_266], %mul3A_256 : memref<1024xf32, #tpu.memory_space<vmem>>[vector<16xi32>], vector<16xf32>,
    tpu.vector_store_idx %arg7[%add3A_263], %select_n3A_250 : memref<1024xi32, #tpu.memory_space<vmem>>[vector<16xi32>], vector<16xi32>,
    %add3A_267 = arith.constant 1 : i32
    %add3A_268 = vector.broadcast %add3A_267 : i32 to vector<16xi32>
    %add3A_269 = arith.addi %add3A_263, %add3A_268 : vector<16xi32>
    tpu.vector_store_idx %arg7[%add3A_269], %select_n3A_246 : memref<1024xi32, #tpu.memory_space<vmem>>[vector<16xi32>], vector<16xi32>,
    %scan3A_270 = arith.constant 1 : i32
    %mul3A_271 = arith.constant 2 : i32
    %mul3A_272 = arith.muli %mul3A_2, %mul3A_271 : i32
    "tpu.region"() ({
      %run_scoped3A = tpu.sem_alloc : memref<!tpu.dma_semaphore, #tpu.memory_space<semaphore_mem>>
      %dma_start3A = tpu.memref_slice %arg3[%mul3A_272] : memref<32768xf32, #tpu.memory_space<hbm>> -> memref<1024xf32, #tpu.memory_space<hbm>>
      %dma_start3A_275 = tpu.memref_slice %arg3[%mul3A_272] : memref<32768xf32, #tpu.memory_space<hbm>> -> memref<1024xf32, #tpu.memory_space<hbm>>
      tpu.enqueue_dma source(%arg6 : memref<1024xf32, #tpu.memory_space<vmem>>) target(%dma_start3A_275 : memref<1024xf32, #tpu.memory_space<hbm>>) target_semaphore(%run_scoped3A : memref<!tpu.dma_semaphore, #tpu.memory_space<semaphore_mem>>)
      %dma_wait3A = tpu.memref_slice %arg3[%mul3A_272] : memref<32768xf32, #tpu.memory_space<hbm>> -> memref<1024xf32, #tpu.memory_space<hbm>>
      %dma_wait3A_276 = tpu.memref_slice %arg3[%mul3A_272] : memref<32768xf32, #tpu.memory_space<hbm>> -> memref<1024xf32, #tpu.memory_space<hbm>>
      tpu.wait_dma2 semaphore(%run_scoped3A : memref<!tpu.dma_semaphore, #tpu.memory_space<semaphore_mem>>) src(%arg6 : memref<1024xf32, #tpu.memory_space<vmem>>) dst(%dma_wait3A_276 : memref<1024xf32, #tpu.memory_space<hbm>>)
      tpu.yield
    }) : () -> ()
    %mul3A_273 = arith.constant 2 : i32
    %mul3A_274 = arith.muli %mul3A_2, %mul3A_273 : i32
    "tpu.region"() ({
      %run_scoped3A = tpu.sem_alloc : memref<!tpu.dma_semaphore, #tpu.memory_space<semaphore_mem>>
      %dma_start3A = tpu.memref_slice %arg4[%mul3A_274] : memref<32768xi32, #tpu.memory_space<hbm>> -> memref<1024xi32, #tpu.memory_space<hbm>>
      %dma_start3A_275 = tpu.memref_slice %arg4[%mul3A_274] : memref<32768xi32, #tpu.memory_space<hbm>> -> memref<1024xi32, #tpu.memory_space<hbm>>
      tpu.enqueue_dma source(%arg7 : memref<1024xi32, #tpu.memory_space<vmem>>) target(%dma_start3A_275 : memref<1024xi32, #tpu.memory_space<hbm>>) target_semaphore(%run_scoped3A : memref<!tpu.dma_semaphore, #tpu.memory_space<semaphore_mem>>)
      %dma_wait3A = tpu.memref_slice %arg4[%mul3A_274] : memref<32768xi32, #tpu.memory_space<hbm>> -> memref<1024xi32, #tpu.memory_space<hbm>>
      %dma_wait3A_276 = tpu.memref_slice %arg4[%mul3A_274] : memref<32768xi32, #tpu.memory_space<hbm>> -> memref<1024xi32, #tpu.memory_space<hbm>>
      tpu.wait_dma2 semaphore(%run_scoped3A : memref<!tpu.dma_semaphore, #tpu.memory_space<semaphore_mem>>) src(%arg7 : memref<1024xi32, #tpu.memory_space<vmem>>) dst(%dma_wait3A_276 : memref<1024xi32, #tpu.memory_space<hbm>>)
      tpu.yield
    }) : () -> ()
    return
  }
}

</mosaic_0001>

<sc_bundles>
// kernel: kernel.3.cloned.1.call-start
scs
__scs_entry_jumppad:
0x0: {  	(pc) =	sbr.rel $0x88, $3  }
0x1: {  	(tag) =	ssettag $0x0;
	lr =	simm.s32 $0x1  }
0x2: {  	[smem:$0x3FA0] =	sst lr;
	_ =	strace $0xD0000000  }
0x3: {  	_ = 	snop  }
0x4: {  	_ = 	snop  }
0x5: {  	_ = 	snop  }
0x6: {  	_ = 	snop  }
0x7: {  	_ = 	snop  }
__scs_overlays_trampoline_lowered:
0x8: {  	[smem:$0x3FAF] =	sst s0  }
0x9: {  	[smem:$0x3FB0] =	sst s1  }
0xa: {  	[smem:$0x3FB1] =	sst s2  }
0xb: {  	[smem:$0x3FB2] =	sst s3  }
0xc: {  	[smem:$0x3FB3] =	sst s4  }
0xd: {  	[smem:$0x3FB4] =	sst s5  }
0xe: {  	[smem:$0x3FB5] =	sst s6  }
0xf: {  	[smem:$0x3FB6] =	sst s7  }
0x10: {  	[smem:$0x3FB7] =	sst s8  }
0x11: {  	[smem:$0x3FB8] =	sst s9;
	s0 =	simm.s32 @!p0 $0x0  }
0x12: {  	s1 =	sld [smem:$0x3F9E];
	s0 =	simm.s32 @p0 $0x1  }
0x13: {  	[smem:$0x3FB9] =	sst s0;
	s0 =	simm.s32 @!p1 $0x0  }
0x14: {  	s2 =	sld [smem:$0x3F9D];
	s0 =	simm.s32 @p1 $0x1  }
0x15: {  	[smem:$0x3FBA] =	sst s0;
	s0 =	simm.s32 @!p2 $0x0  }
0x16: {  	s3 =	sld [smem:$0x3FDB];
	s0 =	simm.s32 @p2 $0x1  }
0x17: {  	s4 =	simm.s32 $0x1BF5;
	[smem:$0x3FBC] =	sst s0  }
0x18: {  	s0 =	sld [smem:$0x3F9F];
	_ =	swait.ge [sflag:s4], $0x0  }
0x19: {  	s7 =	sld [smem:$0x3FA0]  }
0x1a: {  	s8 =	sadd.s32 $0xFFFFE003, lr  }
0x1b: {  	s9 =	sadd.s32 $0xFFFFFEF7, lr;
	s5 =	simm.s32 $0xFFFFFFFF;
	p2 =	slt.u32 s8, $0xFFFFF086  }
0x1c: {  	p1 =	slt.u32 s9, $0xF7A;
	s5 =	simm.s32 @!p2 $0x0  }
0x1d: {  	s5 =	simm.s32 @p1 $0x1;
	p0 =	seq.s32 s7, s2  }
0x1e: {  	s7 =	smul.u32 @!p0 $0xF7A, s2;
	p2 =	seq.s32 @!p0 s5, $0x0  }
0x1f: {  	s9 =	smul.u32 $0xF7A, s1;
	s8 =	simm.s32 @!p0 $0x1BF5;
	p2 =	por !p2, p0  }
0x20: {  	[sflag:s8] =	ssyncset.s32 @!p0 $0xFFFFF086;
	s6 =	sadd.s32 @!p0 s3, s7;
	s7 =	simm.s32 @!p0 $0x108  }
0x21: {  	s3 =	sadd.s32 s3, s9;
	s6 =	sadd.s32 @!p0 $0x88, s6;
	s7 =	simm.s32 @p2 $0x1082  }
0x22: {  	[simem:s7], [sflag:s8] =	dma.local @!p0 [hbm:s6], $0xF7A  }
0x23: {  	s9 =	sor.u32 $0xD0000000, s2;
	s6 =	simm.s32 $0x108;
	_ =	swait.ge @!p0 [sflag:s8], $0x0  }
0x24: {  	s3 =	sadd.s32 $0x88, s3;
	s6 =	simm.s32 @!p1 $0x1082;
	[sflag:s4] =	ssyncset.s32 $0xFFFFF086  }
0x25: {  	[simem:s6], [sflag:s4] =	dma.local [hbm:s3], $0xF7A  }
0x26: {  	[smem:$0x3FA0] =	sst s1;
	(tag) =	ssettag s2;
	_ =	strace s9  }
0x27: {  	s1 =	sld [smem:$0x3FB0]  }
0x28: {  	s2 =	sld [smem:$0x3FB1]  }
0x29: {  	s4 =	sld [smem:$0x3FB3]  }
0x2a: {  	p0 =	seq.s32 s5, $0x0;
	s5 =	sld [smem:$0x3FB4]  }
0x2b: {  	s6 =	sld [smem:$0x3FB5]  }
0x2c: {  	s7 =	sld [smem:$0x3FB6]  }
0x2d: {  	s3 =	simm.s32 $0x108;
	s8 =	sld [smem:$0x3FB7]  }
0x2e: {  	s3 =	simm.s32 @!p0 $0x1082;
	s9 =	sld [smem:$0x3FB8]  }
0x2f: {  	lr =	sadd.s32 s0, s3;
	s0 =	sld [smem:$0x3FAF]  }
0x30: {  	s3 =	sld [smem:$0x3FB2]  }
0x31: {  	[smem:$0x3FBB] =	sst s10  }
0x32: {  	s10 =	sld [smem:$0x3FB9];
	_ =	sdelay $0x3  }
0x33: {  	p0 =	seq.s32 s10, $0x1;
	s10 =	sld [smem:$0x3FBB];
	_ =	sdelay $0x3  }
0x34: {  	[smem:$0x3FBB] =	sst s10  }
0x35: {  	s10 =	sld [smem:$0x3FBA];
	_ =	sdelay $0x3  }
0x36: {  	p1 =	seq.s32 s10, $0x1;
	s10 =	sld [smem:$0x3FBB];
	_ =	sdelay $0x3  }
0x37: {  	[smem:$0x3FBB] =	sst s10  }
0x38: {  	s10 =	sld [smem:$0x3FBC]  }
0x39: {  	_ = 	snop;
	(pc) =	sbr.ind lr, $3  }
0x3a: {  	_ = 	snop  }
0x3b: {  	_ = 	snop  }
0x3c: {  	p2 =	seq.s32 s10, $0x1;
	s10 =	sld [smem:$0x3FBB]  }
0x3d: {  	_ =	shalt  }
0x3e: {  	_ =	shalt  }
0x3f: {  	_ =	shalt  }
0x40: {  	_ =	shalt  }
0x41: {  	_ =	shalt  }
0x42: {  	_ =	shalt  }
0x43: {  	_ =	shalt  }
0x44: {  	_ =	shalt  }
0x45: {  	_ =	shalt  }
0x46: {  	_ =	shalt  }
0x47: {  	_ =	shalt  }
0x48: {  	_ =	shalt  }
0x49: {  	_ =	shalt  }
0x4a: {  	_ =	shalt  }
0x4b: {  	_ =	shalt  }
0x4c: {  	_ =	shalt  }
0x4d: {  	_ =	shalt  }
0x4e: {  	_ =	shalt  }
0x4f: {  	_ =	shalt  }
0x50: {  	_ =	shalt  }
0x51: {  	_ =	shalt  }
0x52: {  	_ =	shalt  }
0x53: {  	_ =	shalt  }
0x54: {  	_ =	shalt  }
0x55: {  	_ =	shalt  }
0x56: {  	_ =	shalt  }
0x57: {  	_ =	shalt  }
0x58: {  	_ =	shalt  }
0x59: {  	_ =	shalt  }
0x5a: {  	_ =	shalt  }
0x5b: {  	_ =	shalt  }
0x5c: {  	_ =	shalt  }
0x5d: {  	_ =	shalt  }
0x5e: {  	_ =	shalt  }
0x5f: {  	_ =	shalt  }
0x60: {  	_ =	shalt  }
0x61: {  	_ =	shalt  }
0x62: {  	_ =	shalt  }
0x63: {  	_ =	shalt  }
0x64: {  	_ =	shalt  }
0x65: {  	_ =	shalt  }
0x66: {  	_ =	shalt  }
0x67: {  	_ =	shalt  }
0x68: {  	_ =	shalt  }
0x69: {  	_ =	shalt  }
0x6a: {  	_ =	shalt  }
0x6b: {  	_ =	shalt  }
0x6c: {  	_ =	shalt  }
0x6d: {  	_ =	shalt  }
0x6e: {  	_ =	shalt  }
0x6f: {  	_ =	shalt  }
0x70: {  	_ =	shalt  }
0x71: {  	_ =	shalt  }
0x72: {  	_ =	shalt  }
0x73: {  	_ =	shalt  }
0x74: {  	_ =	shalt  }
0x75: {  	_ =	shalt  }
0x76: {  	_ =	shalt  }
0x77: {  	_ =	shalt  }
0x78: {  	_ =	shalt  }
0x79: {  	_ =	shalt  }
0x7a: {  	_ =	shalt  }
0x7b: {  	_ =	shalt  }
0x7c: {  	_ =	shalt  }
0x7d: {  	_ =	shalt  }
0x7e: {  	_ =	shalt  }
0x7f: {  	_ =	shalt  }
0x80: {  	_ =	shalt  }
0x81: {  	_ =	shalt  }
0x82: {  	_ =	shalt  }
0x83: {  	_ =	shalt  }
0x84: {  	_ =	shalt  }
0x85: {  	_ =	shalt  }
0x86: {  	_ =	shalt  }
0x87: {  	_ =	shalt  }
.Lfunc_end0:
.L_simem_size_0:
called_computation_lowered:
.L_overlay_start_0:
0x88: {  	s2 =	sld [smem:$0x3FD9]  }
0x89: {  	s3 =	sld [smem:$0x3FFE];
	_ =	sdelay $0x1  }
0x8a: {  	s1 =	srdreg.scid  }
0x8b: {  	s0 =	sand.u32 $0x1, s1  }
0x8c: {  	s14 =	sshll.u32 s0, $0xA;
	s2 =	sadd.s32 s3, s2  }
0x8d: {  	s2 =	sadd.s32 s2, s14  }
0x8e: {  	[smem:$0x3FC7] =	sst s2  }
0x8f: {  	_ = 	snop  }
0x90: {  	s2 =	sld [smem:$0x3FD0];
	_ =	sdelay $0x2  }
0x91: {  	s15 =	simm.s32 $0xA;
	s4 =	simm.s32 $0x10  }
0x92: {  	[smem:s4], [sflag:s15] =	dma.local [hbm:s2], $0x1  }
0x93: {  	_ =	swait.eq [sflag:s15], $0x1  }
0x94: {  	[sflag:s15] =	ssyncset.done $0x0  }
0x95: {  	[sflag:s15] =	ssyncadd.s32 $0xFFFFFFFF  }
0x96: {  	s16 =	sld [smem:$0x11];
	(tm) =	ssettm $0x1  }
0x97: {  	s17 =	sld [smem:$0x3FFB];
	_ =	sdelay $0x3  }
0x98: {  	_ =	strace s17  }
0x99: {  	s3 =	sld [smem:$0x3FFC];
	_ =	sdelay $0x3  }
0x9a: {  	_ =	strace s3  }
0x9b: {  	s3 =	sld [smem:$0x3FFD];
	_ =	sdelay $0x3  }
0x9c: {  	_ =	strace s3  }
0x9d: {  	_ =	strace $0x8FFFFFFF  }
0x9e: {  	s18 =	sld [smem:$0x3FDB];
	_ =	sdelay $0x1  }
0x9f: {  	s19 =	simm.s32 $_scs_section_size  }
0xa0: {  	s5 =	simm.s32 $_size__tile_overlayer_lowered;
	s6 =	simm.s32 $_tile_overlayer_lowered  }
0xa1: {  	s22 =	simm.s32 $0x1BFF;
	s21 =	sshll.u32 s6, $0x1;
	s3 =	sadd.s32 s19, s18  }
0xa2: {  	s7 =	simm.s32 $0x0;
	s20 =	sshll.u32 s5, $0x1;
	s5 =	sadd.s32 s21, s3  }
0xa3: {  	[timem:s7], [sflag:s22] =	dma.local [hbm:s5], s20  }
0xa4: {  	_ =	swait.ge [sflag:s22], s20  }
0xa5: {  	s4 =	ssub.s32 $0x0, s20;
	[sflag:s22] =	ssyncset.done $0x0  }
0xa6: {  	[sflag:s22] =	ssyncadd.s32 s4;
	_ =	sdelay $0x1  }
0xa7: {  	s23 =	simm.s32 $0x1B8B  }
0xa8: {  	_ =	swait.ge [sflag:s23], $0x1  }
0xa9: {  	[sflag:s23] =	ssyncset.done $0x0  }
0xaa: {  	s25 =	simm.s32 $0x1B8E;
	s24 =	sld [smem:$0x3FFE];
	[sflag:s23] =	ssyncadd.s32 $0xFFFFFFFF  }
0xab: {  	s26 =	simm.s32 $execute0_lowered;
	[smem:$0x3FD2] =	sst s25  }
0xac: {  	s5 =	sshll.u32 s26, $0x1;
	_ =	strace $0x80000046;
	[dreg:$0x1] =	wrdreg $0xFFFFFFFF  }
0xad: {  	s28 =	simm.s32 $_size_execute0_lowered;
	s3 =	sadd.s32 s3, s5;
	[dreg:$0x0] =	wrdreg $0x0  }
0xae: {  	s5 =	sshll.u32 s28, $0x1;
	[dreg:$0x2] =	wrdreg s3  }
0xaf: {  	[dreg:$0x3] =	wrdreg s5  }
0xb0: {  	[dreg:$0x4] =	wrdreg $0xC0  }
0xb1: {  	_ =	task [dreg:s7], $0x5FFFF  }
0xb2: {  	[dreg:$0x1] =	wrdreg $0xFFFFFFFF  }
0xb3: {  	[dreg:$0x0] =	wrdreg $0x60  }
0xb4: {  	[dreg:$0x2] =	wrdreg s16  }
0xb5: {  	[dreg:$0x3] =	wrdreg s24  }
0xb6: {  	[dreg:$0x4] =	wrdreg $0x9  }
0xb7: {  	_ =	task.clear_ibuf [dreg:s7], $0x5FFFF;
	_ =	strace $0x90000046  }
0xb8: {  	s29 =	simm.s32 $0x9;
	_ =	strace $0x80000048  }
0xb9: {  	_ =	swait.ge [sflag:s29], $0x1  }
0xba: {  	[sflag:s29] =	ssyncadd.s32 $0xFFFFFFFF  }
0xbb: {  	_ =	strace $0x90000048  }
0xbc: {  	_ =	sfence  }
0xbd: {  	s30 =	sld [smem:$0x0];
	_ =	sdelay $0x2  }
0xbe: {  	s31 =	sshll.u32 s1, $0xD;
	s1 =	sshrl.u32 s1, $0x2  }
0xbf: {  	s3 =	sand.u32 $0x4000, s31;
	s1 =	sadd.s32 s1, s30  }
0xc0: {  	s0 =	sor.u32 s3, s0;
	s1 =	sshll.u32 s1, $0x11  }
0xc1: {  	s0 =	sor.u32 s1, s0  }
0xc2: {  	s0 =	sadd.s32 $0x8F2B, s0  }
0xc3: {  	[sflag:s0] =	ssyncadd.remote.s32 $0x1  }
0xc4: {  	_ =	sfence.sel $0xFFFF  }
0xc5: {  	[dreg:$0x0] =	wrdreg $0xFFFFFFFF;
	(pc) =	sbr.abs _section_cstart, $3  }
0xc6: {  	[dreg:$0x1] =	wrdreg $0xFFFFFFFF  }
0xc7: {  	_ =	task.clear_ibuf [dreg:s7], $0x2FFFF;
	_ =	strace $0x9FFFFFFF  }
0xc8: {  	(tm) =	ssettm $0x7FFFFFFF  }
0xc9: {  	_ =	shalt  }
tec
execute0_lowered:
.L_overlay_start_1:
0x0: {  	(tag) =	ssettag $0x1  }
0x1: {  	s5 =	rddreg [dreg:$0x0]  }
0x2: {  	s7 =	rddreg [dreg:$0x1];
	s1 =	simm.s32 $0x0  }
0x3: {  	[smem:$0x7FF] =	sst s1  }
0x4: {  	s0 =	rddreg [dreg:$0x2];
	_ =	strace $0x80000047  }
0x5: {  	v0 =	vld [tilespmem:$0x0]  }
0x6: {  	v1 =	vld [tilespmem:$0x80];
	_ =	sdelay $0x4  }
0x7: {  	v3 =	vimm.s32 $0x0;
	vm0 =	vgt.f32 v1, v0  }
0x8: {  	v2 =	vld [tilespmem:$0x100];
	v3 =	vsel vm0, $0xFFFFFFFF, v3  }
0x9: {  	vm1 =	vgt.f32 v1, $-3.000000010e+38;
	[tilespmem:$0x1FF20] =	vst v3;
	v3 =	vimm.s32 $0x0  }
0xa: {  	v3 =	vsel vm1, $0xFFFFFFFF, v3  }
0xb: {  	vm14 =	vmneg vm0;
	[tilespmem:$0x1FF00] =	vst v3;
	v3 =	vnsel vm1, $0xFF61B1E6, v1  }
0xc: {  	v4 =	vld [tilespmem:$0x180];
	v3 =	vsel vm14, v3, v0  }
0xd: {  	v0 =	vsel vm14, v0, v1;
	v1 =	vimm.s32 $0x0;
	vm11 =	vgt.f32 v2, v3  }
0xe: {  	v1 =	vsel vm11, $0xFFFFFFFF, v1  }
0xf: {  	vm12 =	vgt.f32 v2, v0;
	[tilespmem:$0x1FF10] =	vst v1;
	v1 =	vsel vm11, v2, v3  }
0x10: {  	v3 =	vld [tilespmem:$0x200];
	v1 =	vsel vm12, v0, v1  }
0x11: {  	v0 =	vsel vm12, v2, v0;
	v2 =	vimm.s32 $0x0;
	vm13 =	vgt.f32 v4, v1  }
0x12: {  	v2 =	vsel vm13, $0xFFFFFFFF, v2  }
0x13: {  	vm10 =	vgt.f32 v4, v0;
	v1 =	vsel vm13, v4, v1;
	[tilespmem:$0x1FF30] =	vst v2;
	v2 =	vld [tilespmem:$0x280]  }
0x14: {  	v1 =	vsel vm10, v0, v1  }
0x15: {  	v0 =	vsel vm10, v4, v0;
	vm15 =	vgt.f32 v3, v1  }
0x16: {  	v48 =	vld [tilespmem:$0x300];
	vm8 =	vgt.f32 v3, v0;
	v1 =	vsel vm15, v3, v1  }
0x17: {  	v1 =	vsel vm8, v0, v1  }
0x18: {  	v0 =	vsel vm8, v3, v0;
	v3 =	vimm.s32 $0x0;
	vm4 =	vgt.f32 v2, v1  }
0x19: {  	vm9 =	vgt.f32 v2, v0;
	v3 =	vsel vm4, $0xFFFFFFFF, v3;
	v1 =	vsel vm4, v2, v1  }
0x1a: {  	[tilespmem:$0x1FF50] =	vst v3;
	v3 =	vld [tilespmem:$0x380];
	v1 =	vsel vm9, v0, v1  }
0x1b: {  	v0 =	vsel vm9, v2, v0;
	v2 =	vimm.s32 $0x0;
	vm5 =	vgt.f32 v48, v1  }
0x1c: {  	v2 =	vsel vm5, $0xFFFFFFFF, v2  }
0x1d: {  	vm11 =	vgt.f32 v48, v0;
	v1 =	vsel vm5, v48, v1;
	[tilespmem:$0x1FF60] =	vst v2;
	v2 =	vld [tilespmem:$0x1000]  }
0x1e: {  	v1 =	vsel vm11, v0, v1  }
0x1f: {  	v0 =	vsel vm11, v48, v0;
	vm6 =	vgt.f32 v3, v1  }
0x20: {  	v50 =	vld [tilespmem:$0x1080];
	vm13 =	vgt.f32 v3, v0;
	v1 =	vsel vm6, v3, v1  }
0x21: {  	v47 =	vimm.s32 $0x0;
	v1 =	vsel vm13, v0, v1  }
0x22: {  	v0 =	vsel vm13, v3, v0;
	v3 =	vimm.s32 $0x0;
	vm7 =	vgt.f32 v2, v1  }
0x23: {  	v3 =	vsel vm7, $0xFFFFFFFF, v3;
	v1 =	vsel vm7, v2, v1;
	vm7 =	vgt.f32 v2, v0  }
0x24: {  	v4 =	vsel vm15, $0xFFFFFFFF, v47;
	[tilespmem:$0x1FF80] =	vst v3;
	v3 =	vld [tilespmem:$0x1100];
	v1 =	vsel vm7, v0, v1  }
0x25: {  	v0 =	vsel vm7, v2, v0;
	v2 =	vimm.s32 $0x0;
	vm15 =	vgt.f32 v50, v1  }
0x26: {  	v49 =	vimm.s32 $0x0;
	[tilespmem:$0x1FF40] =	vst v4;
	v2 =	vsel vm15, $0xFFFFFFFF, v2  }
0x27: {  	v4 =	vsel vm6, $0xFFFFFFFF, v49;
	vm6 =	vgt.f32 v50, v0;
	v1 =	vsel vm15, v50, v1;
	[tilespmem:$0x1FF90] =	vst v2;
	v2 =	vld [tilespmem:$0x1180]  }
0x28: {  	v1 =	vsel vm6, v0, v1  }
0x29: {  	v51 =	vimm.s32 $0x0;
	v0 =	vsel vm6, v50, v0;
	vm4 =	vgt.f32 v3, v1  }
0x2a: {  	v52 =	vld [tilespmem:$0x1200];
	[tilespmem:$0x1FF70] =	vst v4;
	v4 =	vsel vm4, $0xFFFFFFFF, v51;
	v1 =	vsel vm4, v3, v1;
	vm4 =	vgt.f32 v3, v0  }
0x2b: {  	v1 =	vsel vm4, v0, v1  }
0x2c: {  	v0 =	vsel vm4, v3, v0;
	v3 =	vimm.s32 $0x0;
	vm5 =	vgt.f32 v2, v1  }
0x2d: {  	vm3 =	vgt.f32 v2, v0;
	v3 =	vsel vm5, $0xFFFFFFFF, v3;
	v1 =	vsel vm5, v2, v1  }
0x2e: {  	[tilespmem:$0x1FFB0] =	vst v3;
	v3 =	vld [tilespmem:$0x1280];
	v1 =	vsel vm3, v0, v1  }
0x2f: {  	v0 =	vsel vm3, v2, v0;
	v2 =	vimm.s32 $0x0;
	vm15 =	vgt.f32 v52, v1  }
0x30: {  	v2 =	vsel vm15, $0xFFFFFFFF, v2  }
0x31: {  	vm1 =	vgt.f32 v52, v0;
	v1 =	vsel vm15, v52, v1;
	[tilespmem:$0x1FFC0] =	vst v2;
	v2 =	vld [tilespmem:$0x1300]  }
0x32: {  	v1 =	vsel vm1, v0, v1  }
0x33: {  	v0 =	vsel vm1, v52, v0;
	vm5 =	vgt.f32 v3, v1  }
0x34: {  	v54 =	vld [tilespmem:$0x1380];
	vm0 =	vgt.f32 v3, v0;
	v1 =	vsel vm5, v3, v1  }
0x35: {  	v53 =	vimm.s32 $0x0;
	v1 =	vsel vm0, v0, v1  }
0x36: {  	v0 =	vsel vm0, v3, v0;
	v3 =	vimm.s32 $0x0;
	vm2 =	vgt.f32 v2, v1  }
0x37: {  	v3 =	vsel vm2, $0xFFFFFFFF, v3;
	v1 =	vsel vm2, v2, v1;
	vm2 =	vgt.f32 v2, v0  }
0x38: {  	[tilespmem:$0x1FFA0] =	vst v4;
	v4 =	vsel vm5, $0xFFFFFFFF, v53;
	v1 =	vsel vm2, v0, v1  }
0x39: {  	v0 =	vsel vm2, v2, v0;
	v2 =	vimm.s32 $0x0;
	vm5 =	vgt.f32 v54, v1  }
0x3a: {  	v2 =	vsel vm5, $0xFFFFFFFF, v2  }
0x3b: {  	[tilespmem:$0x1FFF0] =	vst v2;
	v2 =	vld [tilespmem:$0x1FF00];
	_ =	sdelay $0x1  }
0x3c: {  	[tilespmem:$0x1FFE0] =	vst v3;
	v3 =	vld [tilespmem:$0x1FF10];
	_ =	sdelay $0x1  }
0x3d: {  	v1 =	vsel vm5, v54, v1;
	vm5 =	vgt.f32 v54, v0  }
0x3e: {  	v1 =	vsel vm5, v0, v1;
	v0 =	vsel vm5, v54, v0;
	vm15 =	vnez.u8 v2  }
0x3f: {  	v1 =	vsub.f32 v1, v0;
	v0 =	vimm.s32 $0x0;
	vm14 =	vmand vm14, vm15  }
0x40: {  	v2 =	vsel vm14, $0x1, v0;
	vm14 =	vnez.u8 v3;
	v3 =	vld [tilespmem:$0x1FF20];
	_ =	sdelay $0x1  }
0x41: {  	v55 =	vld [tilespmem:$0x1FF30];
	_ =	sdelay $0x2  }
0x42: {  	v2 =	vsel vm14, $0x2, v2;
	vm14 =	vnez.u8 v3  }
0x43: {  	v1 =	vmul.f32 $1.442695020e+00, v1;
	v3 =	vsel vm14, $0x1, v0  }
0x44: {  	v2 =	vsel vm12, v3, v2;
	v3 =	vsel vm12, $0x2, v3;
	vm12 =	vnez.u8 v55  }
0x45: {  	v2 =	vsel vm12, $0x3, v2  }
0x46: {  	(erf) = vpow2.f32 v1;
	v1 =	vsel vm10, v3, v2;
	v2 =	vsel vm10, $0x3, v3;
	v3 =	vld [tilespmem:$0x1FF40];
	_ =	sdelay $0x4  }
0x47: {  	vm14 =	vnez.u8 v3;
	v3 =	vld [tilespmem:$0x1FF50];
	_ =	sdelay $0x4  }
0x48: {  	vm15 =	vnez.u8 v3;
	v3 =	vld [tilespmem:$0x1FF60];
	_ =	sdelay $0x4  }
0x49: {  	v1 =	vsel vm14, $0x4, v1;
	vm12 =	vnez.u8 v3;
	v3 =	vld [tilespmem:$0x1FF70]  }
0x4a: {  	v1 =	vsel vm8, v2, v1  }
0x4b: {  	v56 =	vld [tilespmem:$0x1FF80];
	v2 =	vsel vm8, $0x4, v2;
	v1 =	vsel vm15, $0x5, v1  }
0x4c: {  	v1 =	vsel vm9, v2, v1  }
0x4d: {  	v5 =	vld [tilespmem:$0x1FF90];
	v2 =	vsel vm9, $0x5, v2;
	v1 =	vsel vm12, $0x6, v1  }
0x4e: {  	v1 =	vsel vm11, v2, v1;
	vm14 =	vnez.u8 v3  }
0x4f: {  	v58 =	vld [tilespmem:$0x1FFA0];
	v2 =	vsel vm11, $0x6, v2;
	v1 =	vsel vm14, $0x7, v1  }
0x50: {  	vm15 =	vnez.u8 v56;
	v1 =	vsel vm13, v2, v1  }
0x51: {  	v59 =	vld [tilespmem:$0x1FFB0];
	v2 =	vsel vm13, $0x7, v2;
	v1 =	vsel vm15, $0x8, v1  }
0x52: {  	vm9 =	vnez.u8 v5;
	v1 =	vsel vm7, v2, v1  }
0x53: {  	v2 =	vsel vm7, $0x8, v2;
	v1 =	vsel vm9, $0x9, v1  }
0x54: {  	vm10 =	vnez.u8 v58;
	v1 =	vsel vm6, v2, v1  }
0x55: {  	v3 =	vpop (erf);
	v2 =	vsel vm6, $0x9, v2;
	v1 =	vsel vm10, $0xA, v1  }
0x56: {  	vm11 =	vnez.u8 v59;
	v57 =	vadd.f32 $1.000000000e+00, v3;
	v1 =	vsel vm4, v2, v1  }
0x57: {  	[tilespmem:$0x1FFD0] =	vst v4;
	v2 =	vsel vm4, $0xA, v2;
	v4 =	vsel vm11, $0xB, v1  }
0x58: {  	(erf) = vrcp.f32 v57;
	v60 =	vsel vm3, $0xB, v2;
	v4 =	vsel vm3, v2, v4;
	v2 =	vld [tilespmem:$0x1FFC0];
	_ =	sdelay $0x1  }
0x59: {  	v6 =	vld [tilespmem:$0x1FFD0];
	_ =	sdelay $0x1  }
0x5a: {  	v7 =	vld [tilespmem:$0x1FFE0];
	v1 =	vlaneseq.u32  }
0x5b: {  	v1 =	vmul.u32 $0x2, v1;
	vm12 =	vnez.u8 v2  }
0x5c: {  	v62 =	vld [tilespmem:$0x1FFF0];
	v4 =	vsel vm12, $0xC, v4  }
0x5d: {  	vm13 =	vnez.u8 v6;
	v2 =	vor.u32 $0x1, v1;
	v4 =	vsel vm1, v60, v4  }
0x5e: {  	v5 =	vsel vm1, $0xC, v60;
	v4 =	vsel vm13, $0xD, v4  }
0x5f: {  	s4 =	srdreg.scid;
	vm14 =	vnez.u8 v7;
	v61 =	vpop (erf);
	v4 =	vsel vm0, v5, v4  }
0x60: {  	s3 =	simm.s32 $0x2000;
	s2 =	stileid.u32;
	s6 =	sand.u32 $0x1, s4;
	v3 =	vmul.f32 v61, v3;
	v5 =	vsel vm0, $0xD, v5;
	v4 =	vsel vm14, $0xE, v4  }
0x61: {  	s8 =	sshll.u32 s2, $0x8;
	s9 =	sshll.u32 s6, $0x7;
	s30 =	ssub.s32 $0x2, s6;
	vm15 =	vnez.u8 v62;
	[tilespmem:v1+s3+$0x0] =	vst.idx.msk $0xffff, v61;
	v4 =	vsel vm2, v5, v4;
	v5 =	vsel vm2, $0xE, v5  }
0x62: {  	s4 =	simm.s32 $0x2400;
	s8 =	sor.u32 s9, s8;
	s10 =	sshrl.u32 s30, $0x1;
	[tilespmem:v2+s3+$0x0] =	vst.idx.msk $0xffff, v3;
	v4 =	vsel vm15, $0xF, v4;
	v63 =	vsel vm5, $0xF, v5  }
0x63: {  	s6 =	sadd.s32 s5, s8;
	s31 =	ssub.s32 s30, s10;
	v3 =	vsel vm5, v5, v4;
	[tilespmem:v1+s4+$0x0] =	vst.idx.msk $0xffff, v63  }
0x64: {  	s5 =	simm.s32 $0x1;
	s7 =	sadd.s32 s8, s7;
	s8 =	smax.u32 s31, $0x1;
	[tilespmem:v2+s4+$0x0] =	vst.idx.msk $0xffff, v3  }
0x65: {  	[hbm4b:s6+s1] =	stream.linear.scatter [tilespmem:s3], [sflag:$0x1], $0x400, $0x38;
	[tilespmem:$0x2800] =	vst v63  }
0x66: {  	p0 =	sne.s32 s8, $0x1;
	_ =	swait.ge [sflag:s5], $0x400  }
.Ltmp0:
0x67: {  	[sflag:s5] =	ssyncset.done $0x0;
	(pc) =	sbr.rel @!p0 .LBB2_2-.Ltmp0, $4  }
0x68: {  	s7 =	sadd.s32 $0x8A00, s7;
	[sflag:s5] =	ssyncadd.s32 $0xFFFFFC00  }
0x69: {  	[hbm4b:s7+s1] =	stream.linear.scatter [tilespmem:s4], [sflag:$0x1], $0x400, $0x38;
	[tilespmem:$0x2800] =	vst v63  }
0x6a: {  	_ =	swait.ge [sflag:s5], $0x400  }
0x6b: {  	s8 =	sadd.s32 $0xFFFFFFFF, s8;
	[sflag:s5] =	ssyncset.done $0x0  }
.LBB2_1:
0x6c: {  	p0 =	sne.s32 s8, $0x1;
	s8 =	sadd.s32 $0xFFFFFFFF, s8;
	[sflag:s5] =	ssyncadd.s32 $0xFFFFFC00  }
0x6d: {  	v3 =	vld [tilespmem:$0x0]  }
0x6e: {  	v4 =	vld [tilespmem:$0x80];
	_ =	sdelay $0x2  }
0x6f: {  	v5 =	vld [tilespmem:$0x100];
	_ =	sdelay $0x1  }
0x70: {  	vm0 =	vgt.f32 v4, v3;
	vm1 =	vgt.f32 v4, $-3.000000010e+38  }
0x71: {  	vm2 =	vmneg vm0;
	v6 =	vnsel vm1, $0xFF61B1E6, v4;
	v7 =	vld [tilespmem:$0x180]  }
0x72: {  	v6 =	vsel vm2, v6, v3;
	vm1 =	vmand vm2, vm1;
	v3 =	vsel vm2, v3, v4  }
0x73: {  	v4 =	vsel vm1, $0x1, v0;
	vm1 =	vgt.f32 v5, v6  }
0x74: {  	vm2 =	vgt.f32 v5, v3;
	v6 =	vsel vm1, v5, v6;
	v4 =	vsel vm1, $0x2, v4;
	v8 =	vld [tilespmem:$0x200]  }
0x75: {  	v9 =	vsel vm0, $0x1, v0;
	v6 =	vsel vm2, v3, v6;
	v3 =	vsel vm2, v5, v3  }
0x76: {  	v4 =	vsel vm2, v9, v4;
	v5 =	vsel vm2, $0x2, v9;
	vm0 =	vgt.f32 v7, v6  }
0x77: {  	vm1 =	vgt.f32 v7, v3;
	v6 =	vsel vm0, v7, v6;
	v4 =	vsel vm0, $0x3, v4;
	v9 =	vld [tilespmem:$0x280]  }
0x78: {  	v6 =	vsel vm1, v3, v6;
	v4 =	vsel vm1, v5, v4;
	v3 =	vsel vm1, v7, v3  }
0x79: {  	v5 =	vsel vm1, $0x3, v5;
	vm0 =	vgt.f32 v8, v6  }
0x7a: {  	vm1 =	vgt.f32 v8, v3;
	v6 =	vsel vm0, v8, v6;
	v4 =	vsel vm0, $0x4, v4;
	v7 =	vld [tilespmem:$0x300]  }
0x7b: {  	v6 =	vsel vm1, v3, v6;
	v4 =	vsel vm1, v5, v4;
	v3 =	vsel vm1, v8, v3  }
0x7c: {  	v5 =	vsel vm1, $0x4, v5;
	vm0 =	vgt.f32 v9, v6  }
0x7d: {  	vm1 =	vgt.f32 v9, v3;
	v6 =	vsel vm0, v9, v6;
	v4 =	vsel vm0, $0x5, v4;
	v8 =	vld [tilespmem:$0x380]  }
0x7e: {  	v6 =	vsel vm1, v3, v6;
	v4 =	vsel vm1, v5, v4;
	v3 =	vsel vm1, v9, v3  }
0x7f: {  	v5 =	vsel vm1, $0x5, v5;
	vm0 =	vgt.f32 v7, v6  }
0x80: {  	vm1 =	vgt.f32 v7, v3;
	v6 =	vsel vm0, v7, v6;
	v4 =	vsel vm0, $0x6, v4;
	v9 =	vld [tilespmem:$0x1000]  }
0x81: {  	v6 =	vsel vm1, v3, v6;
	v4 =	vsel vm1, v5, v4;
	v5 =	vsel vm1, $0x6, v5  }
0x82: {  	v3 =	vsel vm1, v7, v3;
	vm0 =	vgt.f32 v8, v6  }
0x83: {  	vm1 =	vgt.f32 v8, v3;
	v6 =	vsel vm0, v8, v6;
	v4 =	vsel vm0, $0x7, v4;
	v7 =	vld [tilespmem:$0x1080]  }
0x84: {  	v10 =	vsel vm1, $0x7, v5;
	v6 =	vsel vm1, v3, v6  }
0x85: {  	v4 =	vsel vm1, v5, v4;
	v3 =	vsel vm1, v8, v3;
	vm0 =	vgt.f32 v9, v6  }
0x86: {  	vm1 =	vgt.f32 v9, v3;
	v5 =	vsel vm0, v9, v6;
	v4 =	vsel vm0, $0x8, v4;
	v6 =	vld [tilespmem:$0x1100]  }
0x87: {  	v5 =	vsel vm1, v3, v5;
	v4 =	vsel vm1, v10, v4;
	v3 =	vsel vm1, v9, v3  }
0x88: {  	v8 =	vsel vm1, $0x8, v10;
	vm0 =	vgt.f32 v7, v5  }
0x89: {  	vm1 =	vgt.f32 v7, v3;
	v5 =	vsel vm0, v7, v5;
	v4 =	vsel vm0, $0x9, v4;
	v9 =	vld [tilespmem:$0x1180]  }
0x8a: {  	v5 =	vsel vm1, v3, v5;
	v4 =	vsel vm1, v8, v4;
	v3 =	vsel vm1, v7, v3  }
0x8b: {  	vm0 =	vgt.f32 v6, v5  }
0x8c: {  	vm2 =	vgt.f32 v6, v3;
	v5 =	vsel vm0, v6, v5;
	v4 =	vsel vm0, $0xA, v4;
	v7 =	vld [tilespmem:$0x1200]  }
0x8d: {  	v8 =	vsel vm1, $0x9, v8;
	v5 =	vsel vm2, v3, v5  }
0x8e: {  	v4 =	vsel vm2, v8, v4;
	v3 =	vsel vm2, v6, v3;
	vm0 =	vgt.f32 v9, v5  }
0x8f: {  	vm1 =	vgt.f32 v9, v3;
	v5 =	vsel vm0, v9, v5;
	v4 =	vsel vm0, $0xB, v4;
	v6 =	vld [tilespmem:$0x1280]  }
0x90: {  	v8 =	vsel vm2, $0xA, v8;
	v5 =	vsel vm1, v3, v5  }
0x91: {  	v3 =	vsel vm1, v9, v3;
	v9 =	vsel vm1, $0xB, v8;
	vm0 =	vgt.f32 v7, v5  }
0x92: {  	v4 =	vsel vm1, v8, v4;
	vm1 =	vgt.f32 v7, v3;
	v5 =	vsel vm0, v7, v5;
	v8 =	vld [tilespmem:$0x1300]  }
0x93: {  	v4 =	vsel vm0, $0xC, v4;
	v5 =	vsel vm1, v3, v5;
	v3 =	vsel vm1, v7, v3  }
0x94: {  	v4 =	vsel vm1, v9, v4;
	v7 =	vsel vm1, $0xC, v9;
	vm0 =	vgt.f32 v6, v5  }
0x95: {  	vm1 =	vgt.f32 v6, v3;
	v5 =	vsel vm0, v6, v5;
	v4 =	vsel vm0, $0xD, v4;
	v9 =	vld [tilespmem:$0x1380]  }
0x96: {  	v5 =	vsel vm1, v3, v5;
	v3 =	vsel vm1, v6, v3;
	v6 =	vsel vm1, $0xD, v7  }
0x97: {  	v4 =	vsel vm1, v7, v4;
	vm0 =	vgt.f32 v8, v5  }
0x98: {  	vm1 =	vgt.f32 v8, v3;
	v5 =	vsel vm0, v8, v5;
	v4 =	vsel vm0, $0xE, v4  }
0x99: {  	v5 =	vsel vm1, v3, v5;
	v4 =	vsel vm1, v6, v4  }
0x9a: {  	v3 =	vsel vm1, v8, v3;
	v6 =	vsel vm1, $0xE, v6;
	vm1 =	vgt.f32 v9, v5  }
0x9b: {  	vm0 =	vgt.f32 v9, v3;
	v5 =	vsel vm1, v9, v5;
	v4 =	vsel vm1, $0xF, v4  }
0x9c: {  	v5 =	vsel vm0, v3, v5;
	v4 =	vsel vm0, v6, v4;
	v3 =	vsel vm0, v9, v3  }
0x9d: {  	v3 =	vsub.f32 v5, v3;
	_ =	sdelay $0x1  }
0x9e: {  	v3 =	vmul.f32 $1.442695020e+00, v3;
	_ =	sdelay $0x1  }
0x9f: {  	(erf) = vpow2.f32 v3;
	_ =	sdelay $0x8  }
0xa0: {  	v3 =	vpop (erf)  }
0xa1: {  	v5 =	vadd.f32 $1.000000000e+00, v3;
	_ =	sdelay $0x1  }
0xa2: {  	(erf) = vrcp.f32 v5;
	_ =	sdelay $0x8  }
0xa3: {  	v5 =	vpop (erf)  }
0xa4: {  	v3 =	vmul.f32 v5, v3;
	[tilespmem:v1+s3+$0x0] =	vst.idx.msk $0xffff, v5;
	_ =	sdelay $0x1  }
0xa5: {  	v5 =	vsel vm0, $0xF, v6;
	[tilespmem:v2+s3+$0x0] =	vst.idx.msk $0xffff, v3  }
0xa6: {  	[tilespmem:v1+s4+$0x0] =	vst.idx.msk $0xffff, v5  }
0xa7: {  	[tilespmem:v2+s4+$0x0] =	vst.idx.msk $0xffff, v4  }
0xa8: {  	[hbm4b:s6+s1] =	stream.linear.scatter [tilespmem:s3], [sflag:$0x1], $0x400, $0x38;
	[tilespmem:$0x2800] =	vst v63  }
0xa9: {  	_ =	swait.ge [sflag:s5], $0x400  }
.Ltmp1:
0xaa: {  	[sflag:s5] =	ssyncset.done $0x0;
	(pc) =	sbr.rel @p0 .LBB2_1-.Ltmp1, $4  }
0xab: {  	[sflag:s5] =	ssyncadd.s32 $0xFFFFFC00  }
0xac: {  	[hbm4b:s7+s1] =	stream.linear.scatter [tilespmem:s4], [sflag:$0x1], $0x400, $0x38;
	[tilespmem:$0x2800] =	vst v63  }
0xad: {  	_ =	swait.ge [sflag:s5], $0x400  }
0xae: {  	[sflag:s5] =	ssyncset.done $0x0  }
.LBB2_2:
0xaf: {  	[sflag:s5] =	ssyncadd.s32 $0xFFFFFC00  }
0xb0: {  	_ =	sfence.sel $0x180000  }
0xb1: {  	[bflag:$0x0] =	sbarrier.arrive $0xFFFF  }
0xb2: {  	p0 =	sne.s32 s2, $0x0;
	_ =	strace $0x90000047  }
0xb3: {  	s0 =	sadd.s32 @!p0 $0x100000, s0;
	[bflag:$0x2] =	sbarrier.arrive $0xFFFF  }
0xb4: {  	[sflag:s0] =	ssyncadd.tile.s32 @!p0 $0x1;
	_ =	shalt  }
.Lfunc_end2:
_tile_overlayer_lowered:
.L_overlay_start_2:
0xb5: {  	(tag) =	ssettag $0x2  }
0xb6: {  	s0 =	rddreg [dreg:$0x0];
	s2 =	stileid.u32  }
0xb7: {  	s1 =	rddreg [dreg:$0x1];
	p0 =	sne.s32 s2, $0x0  }
0xb8: {  	s3 =	rddreg [dreg:$0x2];
	[bflag:$0x3] =	sbarrier.arrive $0xFFFF;
	s2 =	simm.s32 @!p0 $0x1C01  }
0xb9: {  	[timem:s3], [sflag:s2] =	dma.local @!p0 [hbm:s0], s1  }
0xba: {  	s0 =	simm.s32 @!p0 $0x1  }
0xbb: {  	_ =	swait.ge @!p0 [sflag:s0], s1  }
0xbc: {  	s1 =	ssub.s32 @!p0 $0x0, s1;
	[sflag:s0] =	ssyncset.done @!p0 $0x0  }
0xbd: {  	[sflag:s0] =	ssyncadd.s32 @!p0 s1  }
0xbe: {  	[bflag:$0x3] =	sbarrier.arrive $0xFFFF  }
0xbf: {  	_ =	shalt  }

</sc_bundles>
